<compile_context>
chip_gen: v7x
topology: tpu7x:2x2x1
jax: 0.10.2.dev20260603
libtpu: 0.0.44.dev20260713+nightly
codegen_flags: <defaults>
</compile_context>

<pallas_src>
import jax
import jax.numpy as jnp
from jax import lax
from jax.experimental import pallas as pl
from jax.experimental.pallas import tpu as pltpu

_S = 512
_T = 3 * _S


def _threefry_bits(f):
    ks0 = jnp.int32(0)
    ks1 = jnp.int32(42)
    ks2 = jnp.int32(0x1BD11BDA ^ 42)
    ks = (ks0, ks1, ks2)
    rot = ((13, 15, 26, 6), (17, 29, 16, 24))
    x0 = jnp.zeros_like(f)
    x1 = f + ks1
    for i in range(5):
        for r in rot[i % 2]:
            x0 = x0 + x1
            x1 = lax.bitwise_xor(
                lax.bitwise_or(
                    lax.shift_left(x1, jnp.int32(r)),
                    lax.shift_right_logical(x1, jnp.int32(32 - r)),
                ),
                x0,
            )
        x0 = x0 + ks[(i + 1) % 3]
        x1 = x1 + ks[(i + 2) % 3] + jnp.int32(i + 1)
    return lax.bitwise_xor(x0, x1)


def _body(n_ref, bright_ref, spots_ref, std_ref, ls_ref, bm_ref):
    bb = bright_ref.shape[0]
    b0 = pl.program_id(0) * bb
    t = lax.broadcasted_iota(jnp.int32, (bb, _T), 1)
    b = lax.broadcasted_iota(jnp.int32, (bb, _T), 0) + b0
    c = t % 3
    f = b * _T + (_T - 3) - t + 2 * c
    bits = _threefry_bits(f)
    u = lax.bitcast_convert_type(
        lax.bitwise_or(
            lax.shift_right_logical(bits, jnp.int32(9)), jnp.int32(0x3F800000)
        ),
        jnp.float32,
    ) - jnp.float32(1.0)
    pert = spots_ref[0:1, :] + std_ref[0] * u

    n0 = n_ref[:, 0:1]
    n1 = n_ref[:, 1:2]
    n2 = n_ref[:, 2:3]
    nsel = jnp.where(c == 0, n0, jnp.where(c == 1, n1, n2))
    d = pert * nsel
    e = d + pltpu.roll(d, _T - 1, 1) + pltpu.roll(d, _T - 2, 1)
    g = jnp.where(c == 0, e, jnp.where(c == 1, pltpu.roll(e, 1, 1), pltpu.roll(e, 2, 1)))

    cnt = jnp.sum(bright_ref[...], axis=1, keepdims=True)
    valid = (t >= (_T - 3 * cnt)) & (g > 0.0)
    ls_ref[...] = jnp.where(valid, pert, jnp.float32(0.0))
    bm_ref[...] = valid


def kernel(V, N, ray_mask, bright_mask, spots, std):
    B = bright_mask.shape[0]
    spots_t = jnp.flip(spots, 0).reshape(1, _T)
    std_arr = jnp.asarray(std, jnp.float32).reshape(1)
    bb = 256
    ls3, bm3 = pl.pallas_call(
        _body,
        grid=(B // bb,),
        in_specs=[
            pl.BlockSpec((bb, 3), lambda i: (i, 0)),
            pl.BlockSpec((bb, _S), lambda i: (i, 0)),
            pl.BlockSpec((1, _T), lambda i: (0, 0)),
            pl.BlockSpec(memory_space=pltpu.SMEM),
        ],
        out_specs=[
            pl.BlockSpec((bb, _T), lambda i: (i, 0)),
            pl.BlockSpec((bb, _T), lambda i: (i, 0)),
        ],
        out_shape=[
            jax.ShapeDtypeStruct((B, _T), jnp.float32),
            jax.ShapeDtypeStruct((B, _T), jnp.bool_),
        ],
        compiler_params=pltpu.CompilerParams(
            dimension_semantics=("arbitrary",),
        ),
    )(N, bright_mask, spots_t, std_arr)
    Ls = ls3.reshape(B, _S, 3)
    bmask = bm3.reshape(B, _S, 3)[:, :, 0]
    return Ls, bmask

# --- scband reference (transcript-rebuilt; emitter-appended) ---
"""Pipeline reference for scband-brightness-importance-sampler-45938970198209 (READ-ONLY COPY).

The authoritative reference and input builder live on the scoring server;
editing this copy changes nothing except your own understanding.
"""

import jax, jax.numpy as jnp
import numpy as np

B = 8192
S = 512

def setup_inputs(seed: int = 0) -> dict:
    key = jax.random.key(seed)
    k1, k2, k3, k4 = jax.random.split(key, 4)
    V = jax.random.normal(k1, (B, 3), dtype=jnp.float32)
    N = jax.random.normal(k2, (B, 3), dtype=jnp.float32)
    ray_mask = jnp.ones((B, S), dtype=jnp.int32)
    bright_mask = jax.random.randint(k3, (B, S), 0, 2).astype(jnp.int32)
    spots_raw = jax.random.normal(k4, (S, 3), dtype=jnp.float32)
    spots = spots_raw / (jnp.linalg.norm(spots_raw, axis=-1, keepdims=True) + 1e-8)
    return {"V": V, "N": N, "ray_mask": ray_mask, "bright_mask": bright_mask, "spots": spots, "std": 0.01}

def reference(V, N, ray_mask, bright_mask, spots, std):
    # Faithful port of sample_bright_spots_kernel (vectorized over rays and spots).
    B_, S_ = bright_mask.shape
    num_ele = bright_mask.sum(axis=1)              # n per ray (ragged count)
    num_ray = ray_mask.sum(axis=1)                 # ray count per row
    start_ind = num_ray - 1                        # write head per row
    j = jnp.arange(S_)
    noise_key = jax.random.key(42)
    noise = std * jax.random.uniform(noise_key, (B_, S_, 3), dtype=jnp.float32)
    pert = spots[None, :, :] + noise               # perturbed spot directions per ray
    LdotN = jnp.sum(pert * N[:, None, :], axis=-1)
    valid = (j[None, :] < num_ele[:, None]) & (LdotN > 0.0)
    dst = start_ind[:, None] - j[None, :]          # reversed ragged write index
    dst_safe = jnp.where(valid, dst, S_)           # out-of-bounds => dropped
    rows = jnp.broadcast_to(jnp.arange(B_)[:, None], (B_, S_))
    Ls = jnp.zeros((B_, S_, 3), dtype=jnp.float32).at[rows, dst_safe].set(pert, mode='drop')
    bmask = jnp.zeros((B_, S_), dtype=jnp.int32).at[rows, dst_safe].set(1, mode='drop')
    return Ls, bmask.astype(bool)

if __name__ == "__main__":
    import jax
    _d = setup_inputs()
    print(jax.jit(kernel)(*tuple(_d.values())))

</pallas_src>

<mosaic_0001>
module attributes {stable_mosaic.version = 14 : i64} {
  func.func @_body(%arg0: i32, %arg1: memref<256x3xf32, #tpu.memory_space<vmem>>, %arg2: memref<256x512xi32, #tpu.memory_space<vmem>>, %arg3: memref<1x1536xf32, #tpu.memory_space<vmem>>, %arg4: memref<1xf32, #tpu.memory_space<smem>>, %arg5: memref<256x1536xf32, #tpu.memory_space<vmem>>, %arg6: memref<256x1536xi32, #tpu.memory_space<vmem>>) attributes {dimension_semantics = [#tpu.dimension_semantics<arbitrary>], iteration_bounds = array<i64: 32>, scalar_prefetch = 0 : i64, scratch_operands = 0 : i64, tpu.core_type = #tpu.core_type<tc>, window_params = [{transform_indices = @transform_0, window_bounds = array<i64: 256, 3>}, {transform_indices = @transform_1, window_bounds = array<i64: 256, 512>}, {pipeline_mode = #tpu.pipeline_mode<synchronous>, transform_indices = @transform_2, window_bounds = array<i64: 1, 1536>}, {transform_indices = @transform_3, window_bounds = array<i64: 1>}, {transform_indices = @transform_4, window_bounds = array<i64: 256, 1536>}, {transform_indices = @transform_5, window_bounds = array<i64: 256, 1536>}]} {
    %mul3A = arith.constant 256 : i32
    %mul3A_0 = arith.muli %arg0, %mul3A : i32
    %iota3A = tpu.iota {dimensions = array<i32: 1>} : vector<256x1536xi32>
    %iota3A_1 = tpu.iota {dimensions = array<i32: 0>} : vector<256x1536xi32>
    %add3A = vector.broadcast %mul3A_0 : i32 to vector<256x1536xi32>
    %add3A_2 = arith.addi %iota3A_1, %add3A : vector<256x1536xi32>
    %jit3A = arith.constant 3 : i32
    %eq3A = arith.constant 0 : i32
    %eq3A_3 = arith.cmpi eq, %jit3A, %eq3A : i32
    %jit3A_4 = arith.constant 1 : i32
    %select_n3A = arith.select %eq3A_3, %jit3A_4, %jit3A : i32
    %rem3A = vector.broadcast %select_n3A : i32 to vector<256x1536xi32>
    %rem3A_5 = arith.remsi %iota3A, %rem3A : vector<256x1536xi32>
    %ne3A = arith.constant 0 : i32
    %ne3A_6 = vector.broadcast %ne3A : i32 to vector<256x1536xi32>
    %ne3A_7 = arith.cmpi ne, %rem3A_5, %ne3A_6 : vector<256x1536xi32>
    %lt3A = arith.constant 0 : i32
    %lt3A_8 = vector.broadcast %lt3A : i32 to vector<256x1536xi32>
    %lt3A_9 = arith.cmpi slt, %rem3A_5, %lt3A_8 : vector<256x1536xi32>
    %lt3A_10 = arith.constant 0 : i32
    %lt3A_11 = arith.cmpi slt, %select_n3A, %lt3A_10 : i32
    %ne3A_12 = vector.broadcast %lt3A_11 : i1 to vector<256x1536xi1>
    %ne3A_13 = vector.broadcast %ne3A_12 : vector<256x1536xi1> to vector<256x1536xi1>
    %ne3A_14 = arith.xori %lt3A_9, %ne3A_13 : vector<256x1536xi1>
    %and3A = arith.andi %ne3A_14, %ne3A_7 : vector<256x1536xi1>
    %add3A_15 = vector.broadcast %select_n3A : i32 to vector<256x1536xi32>
    %add3A_16 = arith.addi %rem3A_5, %add3A_15 : vector<256x1536xi32>
    %select_n3A_17 = arith.select %and3A, %add3A_16, %rem3A_5 : vector<256x1536xi1>, vector<256x1536xi32>
    %mul3A_18 = arith.constant 1536 : i32
    %mul3A_19 = vector.broadcast %mul3A_18 : i32 to vector<256x1536xi32>
    %mul3A_20 = arith.muli %add3A_2, %mul3A_19 : vector<256x1536xi32>
    %add3A_21 = arith.constant 1533 : i32
    %add3A_22 = vector.broadcast %add3A_21 : i32 to vector<256x1536xi32>
    %add3A_23 = arith.addi %mul3A_20, %add3A_22 : vector<256x1536xi32>
    %sub3A = arith.subi %add3A_23, %iota3A : vector<256x1536xi32>
    %mul3A_24 = arith.constant 2 : i32
    %mul3A_25 = vector.broadcast %mul3A_24 : i32 to vector<256x1536xi32>
    %mul3A_26 = arith.muli %mul3A_25, %select_n3A_17 : vector<256x1536xi32>
    %add3A_27 = arith.addi %sub3A, %mul3A_26 : vector<256x1536xi32>
    %broadcast_in_dim3A = arith.constant 0 : i32
    %broadcast_in_dim3A_28 = vector.broadcast %broadcast_in_dim3A : i32 to vector<256x1536xi32>
    %add3A_29 = arith.constant 42 : i32
    %add3A_30 = vector.broadcast %add3A_29 : i32 to vector<256x1536xi32>
    %add3A_31 = arith.addi %add3A_27, %add3A_30 : vector<256x1536xi32>
    %add3A_32 = arith.addi %broadcast_in_dim3A_28, %add3A_31 : vector<256x1536xi32>
    %shift_left3A = arith.constant 13 : i32
    %shift_left3A_33 = vector.broadcast %shift_left3A : i32 to vector<256x1536xi32>
    %shift_left3A_34 = arith.shli %add3A_31, %shift_left3A_33 : vector<256x1536xi32>
    %shift_right_logical3A = arith.constant 19 : i32
    %shift_right_logical3A_35 = vector.broadcast %shift_right_logical3A : i32 to vector<256x1536xi32>
    %shift_right_logical3A_36 = arith.shrui %add3A_31, %shift_right_logical3A_35 : vector<256x1536xi32>
    %or3A = arith.ori %shift_left3A_34, %shift_right_logical3A_36 : vector<256x1536xi32>
    %xor3A = arith.xori %or3A, %add3A_32 : vector<256x1536xi32>
    %add3A_37 = arith.addi %add3A_32, %xor3A : vector<256x1536xi32>
    %shift_left3A_38 = arith.constant 15 : i32
    %shift_left3A_39 = vector.broadcast %shift_left3A_38 : i32 to vector<256x1536xi32>
    %shift_left3A_40 = arith.shli %xor3A, %shift_left3A_39 : vector<256x1536xi32>
    %shift_right_logical3A_41 = arith.constant 17 : i32
    %shift_right_logical3A_42 = vector.broadcast %shift_right_logical3A_41 : i32 to vector<256x1536xi32>
    %shift_right_logical3A_43 = arith.shrui %xor3A, %shift_right_logical3A_42 : vector<256x1536xi32>
    %or3A_44 = arith.ori %shift_left3A_40, %shift_right_logical3A_43 : vector<256x1536xi32>
    %xor3A_45 = arith.xori %or3A_44, %add3A_37 : vector<256x1536xi32>
    %add3A_46 = arith.addi %add3A_37, %xor3A_45 : vector<256x1536xi32>
    %shift_left3A_47 = arith.constant 26 : i32
    %shift_left3A_48 = vector.broadcast %shift_left3A_47 : i32 to vector<256x1536xi32>
    %shift_left3A_49 = arith.shli %xor3A_45, %shift_left3A_48 : vector<256x1536xi32>
    %shift_right_logical3A_50 = arith.constant 6 : i32
    %shift_right_logical3A_51 = vector.broadcast %shift_right_logical3A_50 : i32 to vector<256x1536xi32>
    %shift_right_logical3A_52 = arith.shrui %xor3A_45, %shift_right_logical3A_51 : vector<256x1536xi32>
    %or3A_53 = arith.ori %shift_left3A_49, %shift_right_logical3A_52 : vector<256x1536xi32>
    %xor3A_54 = arith.xori %or3A_53, %add3A_46 : vector<256x1536xi32>
    %add3A_55 = arith.addi %add3A_46, %xor3A_54 : vector<256x1536xi32>
    %shift_left3A_56 = arith.constant 6 : i32
    %shift_left3A_57 = vector.broadcast %shift_left3A_56 : i32 to vector<256x1536xi32>
    %shift_left3A_58 = arith.shli %xor3A_54, %shift_left3A_57 : vector<256x1536xi32>
    %shift_right_logical3A_59 = arith.constant 26 : i32
    %shift_right_logical3A_60 = vector.broadcast %shift_right_logical3A_59 : i32 to vector<256x1536xi32>
    %shift_right_logical3A_61 = arith.shrui %xor3A_54, %shift_right_logical3A_60 : vector<256x1536xi32>
    %or3A_62 = arith.ori %shift_left3A_58, %shift_right_logical3A_61 : vector<256x1536xi32>
    %xor3A_63 = arith.xori %or3A_62, %add3A_55 : vector<256x1536xi32>
    %add3A_64 = arith.constant 42 : i32
    %add3A_65 = vector.broadcast %add3A_64 : i32 to vector<256x1536xi32>
    %add3A_66 = arith.addi %add3A_55, %add3A_65 : vector<256x1536xi32>
    %add3A_67 = arith.constant 466689008 : i32
    %add3A_68 = vector.broadcast %add3A_67 : i32 to vector<256x1536xi32>
    %add3A_69 = arith.addi %xor3A_63, %add3A_68 : vector<256x1536xi32>
    %add3A_70 = arith.constant 1 : i32
    %add3A_71 = vector.broadcast %add3A_70 : i32 to vector<256x1536xi32>
    %add3A_72 = arith.addi %add3A_69, %add3A_71 : vector<256x1536xi32>
    %add3A_73 = arith.addi %add3A_66, %add3A_72 : vector<256x1536xi32>
    %shift_left3A_74 = arith.constant 17 : i32
    %shift_left3A_75 = vector.broadcast %shift_left3A_74 : i32 to vector<256x1536xi32>
    %shift_left3A_76 = arith.shli %add3A_72, %shift_left3A_75 : vector<256x1536xi32>
    %shift_right_logical3A_77 = arith.constant 15 : i32
    %shift_right_logical3A_78 = vector.broadcast %shift_right_logical3A_77 : i32 to vector<256x1536xi32>
    %shift_right_logical3A_79 = arith.shrui %add3A_72, %shift_right_logical3A_78 : vector<256x1536xi32>
    %or3A_80 = arith.ori %shift_left3A_76, %shift_right_logical3A_79 : vector<256x1536xi32>
    %xor3A_81 = arith.xori %or3A_80, %add3A_73 : vector<256x1536xi32>
    %add3A_82 = arith.addi %add3A_73, %xor3A_81 : vector<256x1536xi32>
    %shift_left3A_83 = arith.constant 29 : i32
    %shift_left3A_84 = vector.broadcast %shift_left3A_83 : i32 to vector<256x1536xi32>
    %shift_left3A_85 = arith.shli %xor3A_81, %shift_left3A_84 : vector<256x1536xi32>
    %shift_right_logical3A_86 = arith.constant 3 : i32
    %shift_right_logical3A_87 = vector.broadcast %shift_right_logical3A_86 : i32 to vector<256x1536xi32>
    %shift_right_logical3A_88 = arith.shrui %xor3A_81, %shift_right_logical3A_87 : vector<256x1536xi32>
    %or3A_89 = arith.ori %shift_left3A_85, %shift_right_logical3A_88 : vector<256x1536xi32>
    %xor3A_90 = arith.xori %or3A_89, %add3A_82 : vector<256x1536xi32>
    %add3A_91 = arith.addi %add3A_82, %xor3A_90 : vector<256x1536xi32>
    %shift_left3A_92 = arith.constant 16 : i32
    %shift_left3A_93 = vector.broadcast %shift_left3A_92 : i32 to vector<256x1536xi32>
    %shift_left3A_94 = arith.shli %xor3A_90, %shift_left3A_93 : vector<256x1536xi32>
    %shift_right_logical3A_95 = arith.constant 16 : i32
    %shift_right_logical3A_96 = vector.broadcast %shift_right_logical3A_95 : i32 to vector<256x1536xi32>
    %shift_right_logical3A_97 = arith.shrui %xor3A_90, %shift_right_logical3A_96 : vector<256x1536xi32>
    %or3A_98 = arith.ori %shift_left3A_94, %shift_right_logical3A_97 : vector<256x1536xi32>
    %xor3A_99 = arith.xori %or3A_98, %add3A_91 : vector<256x1536xi32>
    %add3A_100 = arith.addi %add3A_91, %xor3A_99 : vector<256x1536xi32>
    %shift_left3A_101 = arith.constant 24 : i32
    %shift_left3A_102 = vector.broadcast %shift_left3A_101 : i32 to vector<256x1536xi32>
    %shift_left3A_103 = arith.shli %xor3A_99, %shift_left3A_102 : vector<256x1536xi32>
    %shift_right_logical3A_104 = arith.constant 8 : i32
    %shift_right_logical3A_105 = vector.broadcast %shift_right_logical3A_104 : i32 to vector<256x1536xi32>
    %shift_right_logical3A_106 = arith.shrui %xor3A_99, %shift_right_logical3A_105 : vector<256x1536xi32>
    %or3A_107 = arith.ori %shift_left3A_103, %shift_right_logical3A_106 : vector<256x1536xi32>
    %xor3A_108 = arith.xori %or3A_107, %add3A_100 : vector<256x1536xi32>
    %add3A_109 = arith.constant 466689008 : i32
    %add3A_110 = vector.broadcast %add3A_109 : i32 to vector<256x1536xi32>
    %add3A_111 = arith.addi %add3A_100, %add3A_110 : vector<256x1536xi32>
    %add3A_112 = arith.constant 0 : i32
    %add3A_113 = vector.broadcast %add3A_112 : i32 to vector<256x1536xi32>
    %add3A_114 = arith.addi %xor3A_108, %add3A_113 : vector<256x1536xi32>
    %add3A_115 = arith.constant 2 : i32
    %add3A_116 = vector.broadcast %add3A_115 : i32 to vector<256x1536xi32>
    %add3A_117 = arith.addi %add3A_114, %add3A_116 : vector<256x1536xi32>
    %add3A_118 = arith.addi %add3A_111, %add3A_117 : vector<256x1536xi32>
    %shift_left3A_119 = arith.constant 13 : i32
    %shift_left3A_120 = vector.broadcast %shift_left3A_119 : i32 to vector<256x1536xi32>
    %shift_left3A_121 = arith.shli %add3A_117, %shift_left3A_120 : vector<256x1536xi32>
    %shift_right_logical3A_122 = arith.constant 19 : i32
    %shift_right_logical3A_123 = vector.broadcast %shift_right_logical3A_122 : i32 to vector<256x1536xi32>
    %shift_right_logical3A_124 = arith.shrui %add3A_117, %shift_right_logical3A_123 : vector<256x1536xi32>
    %or3A_125 = arith.ori %shift_left3A_121, %shift_right_logical3A_124 : vector<256x1536xi32>
    %xor3A_126 = arith.xori %or3A_125, %add3A_118 : vector<256x1536xi32>
    %add3A_127 = arith.addi %add3A_118, %xor3A_126 : vector<256x1536xi32>
    %shift_left3A_128 = arith.constant 15 : i32
    %shift_left3A_129 = vector.broadcast %shift_left3A_128 : i32 to vector<256x1536xi32>
    %shift_left3A_130 = arith.shli %xor3A_126, %shift_left3A_129 : vector<256x1536xi32>
    %shift_right_logical3A_131 = arith.constant 17 : i32
    %shift_right_logical3A_132 = vector.broadcast %shift_right_logical3A_131 : i32 to vector<256x1536xi32>
    %shift_right_logical3A_133 = arith.shrui %xor3A_126, %shift_right_logical3A_132 : vector<256x1536xi32>
    %or3A_134 = arith.ori %shift_left3A_130, %shift_right_logical3A_133 : vector<256x1536xi32>
    %xor3A_135 = arith.xori %or3A_134, %add3A_127 : vector<256x1536xi32>
    %add3A_136 = arith.addi %add3A_127, %xor3A_135 : vector<256x1536xi32>
    %shift_left3A_137 = arith.constant 26 : i32
    %shift_left3A_138 = vector.broadcast %shift_left3A_137 : i32 to vector<256x1536xi32>
    %shift_left3A_139 = arith.shli %xor3A_135, %shift_left3A_138 : vector<256x1536xi32>
    %shift_right_logical3A_140 = arith.constant 6 : i32
    %shift_right_logical3A_141 = vector.broadcast %shift_right_logical3A_140 : i32 to vector<256x1536xi32>
    %shift_right_logical3A_142 = arith.shrui %xor3A_135, %shift_right_logical3A_141 : vector<256x1536xi32>
    %or3A_143 = arith.ori %shift_left3A_139, %shift_right_logical3A_142 : vector<256x1536xi32>
    %xor3A_144 = arith.xori %or3A_143, %add3A_136 : vector<256x1536xi32>
    %add3A_145 = arith.addi %add3A_136, %xor3A_144 : vector<256x1536xi32>
    %shift_left3A_146 = arith.constant 6 : i32
    %shift_left3A_147 = vector.broadcast %shift_left3A_146 : i32 to vector<256x1536xi32>
    %shift_left3A_148 = arith.shli %xor3A_144, %shift_left3A_147 : vector<256x1536xi32>
    %shift_right_logical3A_149 = arith.constant 26 : i32
    %shift_right_logical3A_150 = vector.broadcast %shift_right_logical3A_149 : i32 to vector<256x1536xi32>
    %shift_right_logical3A_151 = arith.shrui %xor3A_144, %shift_right_logical3A_150 : vector<256x1536xi32>
    %or3A_152 = arith.ori %shift_left3A_148, %shift_right_logical3A_151 : vector<256x1536xi32>
    %xor3A_153 = arith.xori %or3A_152, %add3A_145 : vector<256x1536xi32>
    %add3A_154 = arith.constant 0 : i32
    %add3A_155 = vector.broadcast %add3A_154 : i32 to vector<256x1536xi32>
    %add3A_156 = arith.addi %add3A_145, %add3A_155 : vector<256x1536xi32>
    %add3A_157 = arith.constant 42 : i32
    %add3A_158 = vector.broadcast %add3A_157 : i32 to vector<256x1536xi32>
    %add3A_159 = arith.addi %xor3A_153, %add3A_158 : vector<256x1536xi32>
    %add3A_160 = arith.constant 3 : i32
    %add3A_161 = vector.broadcast %add3A_160 : i32 to vector<256x1536xi32>
    %add3A_162 = arith.addi %add3A_159, %add3A_161 : vector<256x1536xi32>
    %add3A_163 = arith.addi %add3A_156, %add3A_162 : vector<256x1536xi32>
    %shift_left3A_164 = arith.constant 17 : i32
    %shift_left3A_165 = vector.broadcast %shift_left3A_164 : i32 to vector<256x1536xi32>
    %shift_left3A_166 = arith.shli %add3A_162, %shift_left3A_165 : vector<256x1536xi32>
    %shift_right_logical3A_167 = arith.constant 15 : i32
    %shift_right_logical3A_168 = vector.broadcast %shift_right_logical3A_167 : i32 to vector<256x1536xi32>
    %shift_right_logical3A_169 = arith.shrui %add3A_162, %shift_right_logical3A_168 : vector<256x1536xi32>
    %or3A_170 = arith.ori %shift_left3A_166, %shift_right_logical3A_169 : vector<256x1536xi32>
    %xor3A_171 = arith.xori %or3A_170, %add3A_163 : vector<256x1536xi32>
    %add3A_172 = arith.addi %add3A_163, %xor3A_171 : vector<256x1536xi32>
    %shift_left3A_173 = arith.constant 29 : i32
    %shift_left3A_174 = vector.broadcast %shift_left3A_173 : i32 to vector<256x1536xi32>
    %shift_left3A_175 = arith.shli %xor3A_171, %shift_left3A_174 : vector<256x1536xi32>
    %shift_right_logical3A_176 = arith.constant 3 : i32
    %shift_right_logical3A_177 = vector.broadcast %shift_right_logical3A_176 : i32 to vector<256x1536xi32>
    %shift_right_logical3A_178 = arith.shrui %xor3A_171, %shift_right_logical3A_177 : vector<256x1536xi32>
    %or3A_179 = arith.ori %shift_left3A_175, %shift_right_logical3A_178 : vector<256x1536xi32>
    %xor3A_180 = arith.xori %or3A_179, %add3A_172 : vector<256x1536xi32>
    %add3A_181 = arith.addi %add3A_172, %xor3A_180 : vector<256x1536xi32>
    %shift_left3A_182 = arith.constant 16 : i32
    %shift_left3A_183 = vector.broadcast %shift_left3A_182 : i32 to vector<256x1536xi32>
    %shift_left3A_184 = arith.shli %xor3A_180, %shift_left3A_183 : vector<256x1536xi32>
    %shift_right_logical3A_185 = arith.constant 16 : i32
    %shift_right_logical3A_186 = vector.broadcast %shift_right_logical3A_185 : i32 to vector<256x1536xi32>
    %shift_right_logical3A_187 = arith.shrui %xor3A_180, %shift_right_logical3A_186 : vector<256x1536xi32>
    %or3A_188 = arith.ori %shift_left3A_184, %shift_right_logical3A_187 : vector<256x1536xi32>
    %xor3A_189 = arith.xori %or3A_188, %add3A_181 : vector<256x1536xi32>
    %add3A_190 = arith.addi %add3A_181, %xor3A_189 : vector<256x1536xi32>
    %shift_left3A_191 = arith.constant 24 : i32
    %shift_left3A_192 = vector.broadcast %shift_left3A_191 : i32 to vector<256x1536xi32>
    %shift_left3A_193 = arith.shli %xor3A_189, %shift_left3A_192 : vector<256x1536xi32>
    %shift_right_logical3A_194 = arith.constant 8 : i32
    %shift_right_logical3A_195 = vector.broadcast %shift_right_logical3A_194 : i32 to vector<256x1536xi32>
    %shift_right_logical3A_196 = arith.shrui %xor3A_189, %shift_right_logical3A_195 : vector<256x1536xi32>
    %or3A_197 = arith.ori %shift_left3A_193, %shift_right_logical3A_196 : vector<256x1536xi32>
    %xor3A_198 = arith.xori %or3A_197, %add3A_190 : vector<256x1536xi32>
    %add3A_199 = arith.constant 42 : i32
    %add3A_200 = vector.broadcast %add3A_199 : i32 to vector<256x1536xi32>
    %add3A_201 = arith.addi %add3A_190, %add3A_200 : vector<256x1536xi32>
    %add3A_202 = arith.constant 466689008 : i32
    %add3A_203 = vector.broadcast %add3A_202 : i32 to vector<256x1536xi32>
    %add3A_204 = arith.addi %xor3A_198, %add3A_203 : vector<256x1536xi32>
    %add3A_205 = arith.constant 4 : i32
    %add3A_206 = vector.broadcast %add3A_205 : i32 to vector<256x1536xi32>
    %add3A_207 = arith.addi %add3A_204, %add3A_206 : vector<256x1536xi32>
    %add3A_208 = arith.addi %add3A_201, %add3A_207 : vector<256x1536xi32>
    %shift_left3A_209 = arith.constant 13 : i32
    %shift_left3A_210 = vector.broadcast %shift_left3A_209 : i32 to vector<256x1536xi32>
    %shift_left3A_211 = arith.shli %add3A_207, %shift_left3A_210 : vector<256x1536xi32>
    %shift_right_logical3A_212 = arith.constant 19 : i32
    %shift_right_logical3A_213 = vector.broadcast %shift_right_logical3A_212 : i32 to vector<256x1536xi32>
    %shift_right_logical3A_214 = arith.shrui %add3A_207, %shift_right_logical3A_213 : vector<256x1536xi32>
    %or3A_215 = arith.ori %shift_left3A_211, %shift_right_logical3A_214 : vector<256x1536xi32>
    %xor3A_216 = arith.xori %or3A_215, %add3A_208 : vector<256x1536xi32>
    %add3A_217 = arith.addi %add3A_208, %xor3A_216 : vector<256x1536xi32>
    %shift_left3A_218 = arith.constant 15 : i32
    %shift_left3A_219 = vector.broadcast %shift_left3A_218 : i32 to vector<256x1536xi32>
    %shift_left3A_220 = arith.shli %xor3A_216, %shift_left3A_219 : vector<256x1536xi32>
    %shift_right_logical3A_221 = arith.constant 17 : i32
    %shift_right_logical3A_222 = vector.broadcast %shift_right_logical3A_221 : i32 to vector<256x1536xi32>
    %shift_right_logical3A_223 = arith.shrui %xor3A_216, %shift_right_logical3A_222 : vector<256x1536xi32>
    %or3A_224 = arith.ori %shift_left3A_220, %shift_right_logical3A_223 : vector<256x1536xi32>
    %xor3A_225 = arith.xori %or3A_224, %add3A_217 : vector<256x1536xi32>
    %add3A_226 = arith.addi %add3A_217, %xor3A_225 : vector<256x1536xi32>
    %shift_left3A_227 = arith.constant 26 : i32
    %shift_left3A_228 = vector.broadcast %shift_left3A_227 : i32 to vector<256x1536xi32>
    %shift_left3A_229 = arith.shli %xor3A_225, %shift_left3A_228 : vector<256x1536xi32>
    %shift_right_logical3A_230 = arith.constant 6 : i32
    %shift_right_logical3A_231 = vector.broadcast %shift_right_logical3A_230 : i32 to vector<256x1536xi32>
    %shift_right_logical3A_232 = arith.shrui %xor3A_225, %shift_right_logical3A_231 : vector<256x1536xi32>
    %or3A_233 = arith.ori %shift_left3A_229, %shift_right_logical3A_232 : vector<256x1536xi32>
    %xor3A_234 = arith.xori %or3A_233, %add3A_226 : vector<256x1536xi32>
    %add3A_235 = arith.addi %add3A_226, %xor3A_234 : vector<256x1536xi32>
    %shift_left3A_236 = arith.constant 6 : i32
    %shift_left3A_237 = vector.broadcast %shift_left3A_236 : i32 to vector<256x1536xi32>
    %shift_left3A_238 = arith.shli %xor3A_234, %shift_left3A_237 : vector<256x1536xi32>
    %shift_right_logical3A_239 = arith.constant 26 : i32
    %shift_right_logical3A_240 = vector.broadcast %shift_right_logical3A_239 : i32 to vector<256x1536xi32>
    %shift_right_logical3A_241 = arith.shrui %xor3A_234, %shift_right_logical3A_240 : vector<256x1536xi32>
    %or3A_242 = arith.ori %shift_left3A_238, %shift_right_logical3A_241 : vector<256x1536xi32>
    %xor3A_243 = arith.xori %or3A_242, %add3A_235 : vector<256x1536xi32>
    %add3A_244 = arith.constant 466689008 : i32
    %add3A_245 = vector.broadcast %add3A_244 : i32 to vector<256x1536xi32>
    %add3A_246 = arith.addi %add3A_235, %add3A_245 : vector<256x1536xi32>
    %add3A_247 = arith.constant 0 : i32
    %add3A_248 = vector.broadcast %add3A_247 : i32 to vector<256x1536xi32>
    %add3A_249 = arith.addi %xor3A_243, %add3A_248 : vector<256x1536xi32>
    %add3A_250 = arith.constant 5 : i32
    %add3A_251 = vector.broadcast %add3A_250 : i32 to vector<256x1536xi32>
    %add3A_252 = arith.addi %add3A_249, %add3A_251 : vector<256x1536xi32>
    %xor3A_253 = arith.xori %add3A_246, %add3A_252 : vector<256x1536xi32>
    %shift_right_logical3A_254 = arith.constant 9 : i32
    %shift_right_logical3A_255 = vector.broadcast %shift_right_logical3A_254 : i32 to vector<256x1536xi32>
    %shift_right_logical3A_256 = arith.shrui %xor3A_253, %shift_right_logical3A_255 : vector<256x1536xi32>
    %or3A_257 = arith.constant 1065353216 : i32
    %or3A_258 = vector.broadcast %or3A_257 : i32 to vector<256x1536xi32>
    %or3A_259 = arith.ori %shift_right_logical3A_256, %or3A_258 : vector<256x1536xi32>
    %bitcast_convert_type3A = tpu.bitcast %or3A_259 : vector<256x1536xi32> -> vector<256x1536xf32>
    %sub3A_260 = arith.constant 1.000000e+00 : f32
    %sub3A_261 = vector.broadcast %sub3A_260 : f32 to vector<256x1536xf32>
    %sub3A_262 = arith.subf %bitcast_convert_type3A, %sub3A_261 : vector<256x1536xf32>
    %get3A = arith.constant 0 : index
    %get3A_263 = arith.constant 0 : index
    %get3A_264 = vector.load %arg3[%get3A, %get3A_263] : memref<1x1536xf32, #tpu.memory_space<vmem>>, vector<1x1536xf32>
    %get3A_265 = arith.constant 0 : index
    %get3A_266 = memref.load %arg4[%get3A_265] : memref<1xf32, #tpu.memory_space<smem>>
    %mul3A_267 = vector.broadcast %get3A_266 : f32 to vector<256x1536xf32>
    %mul3A_268 = arith.mulf %mul3A_267, %sub3A_262 : vector<256x1536xf32>
    %add3A_269 = vector.broadcast %get3A_264 : vector<1x1536xf32> to vector<256x1536xf32>
    %add3A_270 = arith.addf %add3A_269, %mul3A_268 : vector<256x1536xf32>
    %get3A_271 = arith.constant 0 : index
    %get3A_272 = arith.constant 0 : index
    %get3A_273 = vector.load %arg1[%get3A_271, %get3A_272] : memref<256x3xf32, #tpu.memory_space<vmem>>, vector<256x1xf32>
    %get3A_274 = arith.constant 0 : index
    %get3A_275 = arith.constant 1 : index
    %get3A_276 = vector.load %arg1[%get3A_274, %get3A_275] : memref<256x3xf32, #tpu.memory_space<vmem>>, vector<256x1xf32>
    %get3A_277 = arith.constant 0 : index
    %get3A_278 = arith.constant 2 : index
    %get3A_279 = vector.load %arg1[%get3A_277, %get3A_278] : memref<256x3xf32, #tpu.memory_space<vmem>>, vector<256x1xf32>
    %eq3A_280 = arith.constant 0 : i32
    %eq3A_281 = vector.broadcast %eq3A_280 : i32 to vector<256x1536xi32>
    %eq3A_282 = arith.cmpi eq, %select_n3A_17, %eq3A_281 : vector<256x1536xi32>
    %eq3A_283 = arith.constant 1 : i32
    %eq3A_284 = vector.broadcast %eq3A_283 : i32 to vector<256x1536xi32>
    %eq3A_285 = arith.cmpi eq, %select_n3A_17, %eq3A_284 : vector<256x1536xi32>
    %broadcast_in_dim3A_286 = vector.shape_cast %get3A_276 : vector<256x1xf32> to vector<256x1xf32>
    %broadcast_in_dim3A_287 = vector.broadcast %broadcast_in_dim3A_286 : vector<256x1xf32> to vector<256x1536xf32>
    %broadcast_in_dim3A_288 = vector.shape_cast %get3A_279 : vector<256x1xf32> to vector<256x1xf32>
    %broadcast_in_dim3A_289 = vector.broadcast %broadcast_in_dim3A_288 : vector<256x1xf32> to vector<256x1536xf32>
    %select_n3A_290 = arith.select %eq3A_285, %broadcast_in_dim3A_287, %broadcast_in_dim3A_289 : vector<256x1536xi1>, vector<256x1536xf32>
    %broadcast_in_dim3A_291 = vector.shape_cast %get3A_273 : vector<256x1xf32> to vector<256x1xf32>
    %broadcast_in_dim3A_292 = vector.broadcast %broadcast_in_dim3A_291 : vector<256x1xf32> to vector<256x1536xf32>
    %select_n3A_293 = arith.select %eq3A_282, %broadcast_in_dim3A_292, %select_n3A_290 : vector<256x1536xi1>, vector<256x1536xf32>
    %mul3A_294 = arith.mulf %add3A_270, %select_n3A_293 : vector<256x1536xf32>
    %roll3A = arith.constant 1535 : i32
    %roll3A_295 = tpu.dynamic_rotate %mul3A_294 by %roll3A dim 1 : vector<256x1536xf32>, i32 -> vector<256x1536xf32>
    %add3A_296 = arith.addf %mul3A_294, %roll3A_295 : vector<256x1536xf32>
    %roll3A_297 = arith.constant 1534 : i32
    %roll3A_298 = tpu.dynamic_rotate %mul3A_294 by %roll3A_297 dim 1 : vector<256x1536xf32>, i32 -> vector<256x1536xf32>
    %add3A_299 = arith.addf %add3A_296, %roll3A_298 : vector<256x1536xf32>
    %eq3A_300 = arith.constant 0 : i32
    %eq3A_301 = vector.broadcast %eq3A_300 : i32 to vector<256x1536xi32>
    %eq3A_302 = arith.cmpi eq, %select_n3A_17, %eq3A_301 : vector<256x1536xi32>
    %eq3A_303 = arith.constant 1 : i32
    %eq3A_304 = vector.broadcast %eq3A_303 : i32 to vector<256x1536xi32>
    %eq3A_305 = arith.cmpi eq, %select_n3A_17, %eq3A_304 : vector<256x1536xi32>
    %roll3A_306 = arith.constant 1 : i32
    %roll3A_307 = tpu.dynamic_rotate %add3A_299 by %roll3A_306 dim 1 : vector<256x1536xf32>, i32 -> vector<256x1536xf32>
    %roll3A_308 = arith.constant 2 : i32
    %roll3A_309 = tpu.dynamic_rotate %add3A_299 by %roll3A_308 dim 1 : vector<256x1536xf32>, i32 -> vector<256x1536xf32>
    %select_n3A_310 = arith.select %eq3A_305, %roll3A_307, %roll3A_309 : vector<256x1536xi1>, vector<256x1536xf32>
    %select_n3A_311 = arith.select %eq3A_302, %add3A_299, %select_n3A_310 : vector<256x1536xi1>, vector<256x1536xf32>
    %get3A_312 = arith.constant 0 : index
    %get3A_313 = arith.constant 0 : index
    %get3A_314 = vector.load %arg2[%get3A_312, %get3A_313] : memref<256x512xi32, #tpu.memory_space<vmem>>, vector<256x512xi32>
    %reduce_sum3A = arith.constant dense<0> : vector<256xi32>
    %reduce_sum3A_315 = vector.multi_reduction <add>, %get3A_314, %reduce_sum3A [1] : vector<256x512xi32> to vector<256xi32>
    %broadcast_in_dim3A_316 = vector.shape_cast %reduce_sum3A_315 : vector<256xi32> to vector<256x1xi32>
    %mul3A_317 = arith.constant 3 : i32
    %mul3A_318 = vector.broadcast %mul3A_317 : i32 to vector<256x1xi32>
    %mul3A_319 = arith.muli %mul3A_318, %broadcast_in_dim3A_316 : vector<256x1xi32>
    %sub3A_320 = arith.constant 1536 : i32
    %sub3A_321 = vector.broadcast %sub3A_320 : i32 to vector<256x1xi32>
    %sub3A_322 = arith.subi %sub3A_321, %mul3A_319 : vector<256x1xi32>
    %ge3A = vector.broadcast %sub3A_322 : vector<256x1xi32> to vector<256x1536xi32>
    %ge3A_323 = arith.cmpi sge, %iota3A, %ge3A : vector<256x1536xi32>
    %gt3A = arith.constant 0.000000e+00 : f32
    %gt3A_324 = vector.broadcast %gt3A : f32 to vector<256x1536xf32>
    %gt3A_325 = arith.cmpf ogt, %select_n3A_311, %gt3A_324 : vector<256x1536xf32>
    %and3A_326 = arith.andi %ge3A_323, %gt3A_325 : vector<256x1536xi1>
    %jit3A_327 = arith.constant 0.000000e+00 : f32
    %broadcast_in_dim3A_328 = vector.broadcast %jit3A_327 : f32 to vector<256x1536xf32>
    %select_n3A_329 = arith.select %and3A_326, %add3A_270, %broadcast_in_dim3A_328 : vector<256x1536xi1>, vector<256x1536xf32>
    %swap3A = arith.constant 0 : index
    %swap3A_330 = arith.constant 0 : index
    %swap3A_331 = vector.load %arg5[%swap3A, %swap3A_330] : memref<256x1536xf32, #tpu.memory_space<vmem>>, vector<256x1536xf32>
    tpu.vector_store %arg5[%swap3A, %swap3A_330], %select_n3A_329 {strides = array<i32>} : memref<256x1536xf32, #tpu.memory_space<vmem>>, vector<256x1536xf32>,
    %swap3A_332 = arith.constant 0 : index
    %swap3A_333 = arith.constant 0 : index
    %swap3A_334 = vector.load %arg6[%swap3A_332, %swap3A_333] : memref<256x1536xi32, #tpu.memory_space<vmem>>, vector<256x1536xi32>
    %swap3A_335 = arith.extui %and3A_326 : vector<256x1536xi1> to vector<256x1536xi32>
    %swap3A_336 = arith.constant dense<0> : vector<256x1536xi32>
    %swap3A_337 = arith.cmpi ne, %swap3A_334, %swap3A_336 : vector<256x1536xi32>
    tpu.vector_store %arg6[%swap3A_332, %swap3A_333], %swap3A_335 {strides = array<i32>} : memref<256x1536xi32, #tpu.memory_space<vmem>>, vector<256x1536xi32>,
    return
  }
  func.func @transform_0(%arg0: i32) -> (i32, i32) {
    %c0_i32 = arith.constant 0 : i32
    %c0_i32_0 = arith.constant 0 : i32
    return %arg0, %c0_i32 : i32, i32
  }
  func.func @transform_1(%arg0: i32) -> (i32, i32) {
    %c0_i32 = arith.constant 0 : i32
    %c0_i32_0 = arith.constant 0 : i32
    return %arg0, %c0_i32 : i32, i32
  }
  func.func @transform_2(%arg0: i32) -> (i32, i32) {
    %c0_i32 = arith.constant 0 : i32
    %c0_i32_0 = arith.constant 0 : i32
    %c0_i32_1 = arith.constant 0 : i32
    return %c0_i32, %c0_i32_0 : i32, i32
  }
  func.func @transform_3(%arg0: i32) -> i32 {
    %c0_i32 = arith.constant 0 : i32
    %c0_i32_0 = arith.constant 0 : i32
    return %c0_i32 : i32
  }
  func.func @transform_4(%arg0: i32) -> (i32, i32) {
    %c0_i32 = arith.constant 0 : i32
    %c0_i32_0 = arith.constant 0 : i32
    return %arg0, %c0_i32 : i32, i32
  }
  func.func @transform_5(%arg0: i32) -> (i32, i32) {
    %c0_i32 = arith.constant 0 : i32
    %c0_i32_0 = arith.constant 0 : i32
    return %arg0, %c0_i32 : i32, i32
  }
}

</mosaic_0001>

<sc_bundles>
// kernel: sparse-core-data-format-call.cloned.1.call-start
scs
called_computation_lowered:
.L_overlay_start_0:
0x0: {  	s2 =	sld [smem:$0x3FD9]  }
0x1: {  	s3 =	sld [smem:$0x3FFE];
	_ =	sdelay $0x1  }
0x2: {  	s1 =	srdreg.scid  }
0x3: {  	s0 =	sand.u32 $0x1, s1  }
0x4: {  	s15 =	sshll.u32 s0, $0xA;
	s2 =	sadd.s32 s3, s2  }
0x5: {  	s2 =	sadd.s32 s2, s15  }
0x6: {  	[smem:$0x3FC4] =	sst s2  }
0x7: {  	_ = 	snop  }
0x8: {  	s2 =	sld [smem:$0x3FD0];
	_ =	sdelay $0x2  }
0x9: {  	s16 =	simm.s32 $0xA;
	s4 =	simm.s32 $0x10  }
0xa: {  	[smem:s4], [sflag:s16] =	dma.local [hbm:s2], $0x1  }
0xb: {  	_ =	swait.eq [sflag:s16], $0x1  }
0xc: {  	[sflag:s16] =	ssyncset.done $0x0  }
0xd: {  	[sflag:s16] =	ssyncadd.s32 $0xFFFFFFFF  }
0xe: {  	s17 =	sld [smem:$0x10];
	(tm) =	ssettm $0x1  }
0xf: {  	s18 =	sld [smem:$0x3FFB];
	_ =	sdelay $0x3  }
0x10: {  	_ =	strace s18  }
0x11: {  	s3 =	sld [smem:$0x3FFC];
	_ =	sdelay $0x3  }
0x12: {  	_ =	strace s3  }
0x13: {  	s3 =	sld [smem:$0x3FFD];
	_ =	sdelay $0x3  }
0x14: {  	_ =	strace s3  }
0x15: {  	_ =	strace $0x8FFFFFFF  }
0x16: {  	s19 =	sld [smem:$0x3FDB];
	_ =	sdelay $0x1  }
0x17: {  	s20 =	simm.s32 $_scs_section_size  }
0x18: {  	s5 =	simm.s32 $_size__tile_overlayer_lowered;
	s6 =	simm.s32 $_tile_overlayer_lowered  }
0x19: {  	s23 =	simm.s32 $0x1BFF;
	s22 =	sshll.u32 s6, $0x1;
	s3 =	sadd.s32 s20, s19  }
0x1a: {  	s7 =	simm.s32 $0x0;
	s21 =	sshll.u32 s5, $0x1;
	s5 =	sadd.s32 s22, s3  }
0x1b: {  	[timem:s7], [sflag:s23] =	dma.local [hbm:s5], s21  }
0x1c: {  	_ =	swait.ge [sflag:s23], s21  }
0x1d: {  	s4 =	ssub.s32 $0x0, s21;
	[sflag:s23] =	ssyncset.done $0x0  }
0x1e: {  	[sflag:s23] =	ssyncadd.s32 s4;
	_ =	sdelay $0x1  }
0x1f: {  	s24 =	simm.s32 $0x1B8B  }
0x20: {  	_ =	swait.ge [sflag:s24], $0x1  }
0x21: {  	[sflag:s24] =	ssyncset.done $0x0  }
0x22: {  	s26 =	simm.s32 $0x1B8E;
	s25 =	sld [smem:$0x3FFE];
	[sflag:s24] =	ssyncadd.s32 $0xFFFFFFFF  }
0x23: {  	s27 =	simm.s32 $execute0_lowered;
	[smem:$0x3FD2] =	sst s26  }
0x24: {  	s5 =	sshll.u32 s27, $0x1;
	_ =	strace $0x80000046;
	[dreg:$0x1] =	wrdreg $0xFFFFFFFF  }
0x25: {  	s28 =	simm.s32 $_size_execute0_lowered;
	s3 =	sadd.s32 s3, s5;
	[dreg:$0x0] =	wrdreg $0x0  }
0x26: {  	s5 =	sshll.u32 s28, $0x1;
	[dreg:$0x2] =	wrdreg s3  }
0x27: {  	[dreg:$0x3] =	wrdreg s5  }
0x28: {  	[dreg:$0x4] =	wrdreg $0xC0  }
0x29: {  	_ =	task [dreg:s7], $0x5FFFF  }
0x2a: {  	[dreg:$0x1] =	wrdreg $0xFFFFFFFF  }
0x2b: {  	[dreg:$0x0] =	wrdreg $0x60  }
0x2c: {  	[dreg:$0x2] =	wrdreg s25  }
0x2d: {  	[dreg:$0x3] =	wrdreg s17  }
0x2e: {  	[dreg:$0x4] =	wrdreg $0x9  }
0x2f: {  	_ =	task.clear_ibuf [dreg:s7], $0x5FFFF;
	_ =	strace $0x90000046  }
0x30: {  	s29 =	simm.s32 $0x9;
	_ =	strace $0x80000048  }
0x31: {  	_ =	swait.ge [sflag:s29], $0x1  }
0x32: {  	[sflag:s29] =	ssyncadd.s32 $0xFFFFFFFF  }
0x33: {  	_ =	strace $0x90000048  }
0x34: {  	_ =	sfence  }
0x35: {  	s30 =	sld [smem:$0x0];
	_ =	sdelay $0x2  }
0x36: {  	s31 =	sshll.u32 s1, $0xD;
	s1 =	sshrl.u32 s1, $0x2  }
0x37: {  	s3 =	sand.u32 $0x4000, s31;
	s1 =	sadd.s32 s1, s30  }
0x38: {  	s0 =	sor.u32 s3, s0;
	s1 =	sshll.u32 s1, $0x11  }
0x39: {  	s0 =	sor.u32 s1, s0  }
0x3a: {  	s0 =	sadd.s32 $0x8F2B, s0  }
0x3b: {  	[sflag:s0] =	ssyncadd.remote.s32 $0x1  }
0x3c: {  	_ =	sfence.sel $0xFFFF  }
0x3d: {  	[dreg:$0x0] =	wrdreg $0xFFFFFFFF;
	(pc) =	sbr.abs _section_cstart, $3  }
0x3e: {  	[dreg:$0x1] =	wrdreg $0xFFFFFFFF  }
0x3f: {  	_ =	task.clear_ibuf [dreg:s7], $0x2FFFF;
	_ =	strace $0x9FFFFFFF  }
0x40: {  	(tm) =	ssettm $0x7FFFFFFF  }
0x41: {  	_ =	shalt  }
tec
execute0_lowered:
.L_overlay_start_1:
0x0: {  	(tag) =	ssettag $0x1  }
0x1: {  	s0 =	stileid.u32;
	s1 =	srdreg.scid  }
0x2: {  	s2 =	sshll.u32 s0, $0x7;
	s3 =	sshll.u32 s0, $0x5;
	s4 =	sshll.u32 s1, $0x9  }
0x3: {  	s7 =	rddreg [dreg:$0x0];
	s1 =	sand.u32 $0x180, s2;
	s29 =	sor.u32 s3, s4  }
0x4: {  	s8 =	simm.s32 $0x2;
	s2 =	sand.u32 $0x380, s29;
	s30 =	ssub.s32 $0x200, s1  }
0x5: {  	s16 =	simm.s32 $0x0;
	s31 =	sand.u32 $0x180, s30;
	s5 =	ssub.s32 $0x2000, s2  }
0x6: {  	s4 =	simm.s32 $0x1;
	p0 =	sne.s32 s31, $0x0;
	s6 =	sand.u32 $0x380, s5  }
0x7: {  	s4 =	simm.s32 @!p0 $0x0;
	p0 =	sne.s32 s6, $0x0;
	s6 =	simm.s32 $0x1  }
0x8: {  	s3 =	sshrl.u32 s30, $0x9;
	s5 =	sshrl.u32 s5, $0xA;
	s6 =	simm.s32 @!p0 $0x0  }
0x9: {  	s9 =	simm.s32 $0x1000;
	s3 =	sadd.s32 s4, s3;
	s5 =	sadd.s32 s6, s5  }
0xa: {  	s15 =	simm.s32 $0x0;
	s14 =	simm.s32 $0x0;
	s6 =	smul.u32 s5, s3  }
.Ltmp0:
0xb: {  	s11 =	simm.s32 $0x0;
	s4 =	rddreg [dreg:$0x1];
	(pc) =	sbr.rel .LBB1_1-.Ltmp0, $4  }
0xc: {  	s13 =	simm.s32 $0x0;
	s7 =	sadd.s32 $0x300800, s7;
	s3 =	rddreg [dreg:$0x2]  }
0xd: {  	_ =	strace $0x80000047;
	s5 =	simm.s32 $0x1;
	s6 =	smul.u32 $0x3, s6  }
0xe: {  	s12 =	smov.u32 s1;
	s10 =	smov.u32 s2;
	[sflag:s5] =	ssyncpa.u1 $0x0  }
0xf: {  	p0 =	por $0x0, $0x0;
	[sflag:s8] =	ssyncpa.u1 $0x0;
	s8 =	sadd.s32 $0x1, s6  }
.LBB1_4:
0x10: {  	v5 =	vld [tilespmem:s19+$0xFFFFFFD0]  }
0x11: {  	[tilespmem:s20+$0x2040 ss:$0x81] =	vst.msk $0xffff, v1;
	v58 =	vld [tilespmem:s19+$0xFFFFFFE0]  }
0x12: {  	[tilespmem:s20+$0x2850 ss:$0x81] =	vst.msk $0xffff, v2;
	v59 =	vld [tilespmem:s19+$0xFFFFFFF0]  }
0x13: {  	s21 =	sshra.s32 s21, $0x2;
	[tilespmem:s20+$0x3060 ss:$0x81] =	vst.msk $0xffff, v3;
	v60 =	vld [tilespmem:s19+$0x0]  }
0x14: {  	[tilespmem:s20+$0x0 ss:$0x81] =	vst.msk $0xffff, v0;
	v61 =	vld [tilespmem:s19+$0x10];
	s18 =	sadd.s32 s21, s18  }
0x15: {  	s25 =	sshll.u32 s16, $0x9;
	v62 =	vld [tilespmem:s19+$0x20];
	[tilespmem:s18+$0x3870 ss:$0x81] =	vst.msk $0xffff, v4  }
0x16: {  	s26 =	sshll.u32 s14, $0x3;
	s27 =	sshll.u32 s16, $0x7;
	v63 =	vld [tilespmem:s19+$0xFFFFFFC0];
	s30 =	sand.u32 $0x78, s14;
	[tilespmem:s18+$0x810 ss:$0x81] =	vst.msk $0xffff, v5  }
0x17: {  	s15 =	sshll.u32 s15, $0x13;
	s20 =	sand.u32 $0x3FF000, s25;
	s21 =	sand.u32 $0x3FFC00, s26;
	[tilespmem:s18+$0x1020 ss:$0x81] =	vst.msk $0xffff, v58  }
0x18: {  	s29 =	sand.u32 $0x200, s27;
	s16 =	sand.u32 $0x180, s27;
	s28 =	sadd.s32 s21, s20;
	[tilespmem:s18+$0x1830 ss:$0x81] =	vst.msk $0xffff, v59  }
0x19: {  	s31 =	sand.u32 $0x7, s14;
	s16 =	sor.u32 s30, s16;
	s19 =	sor.u32 s29, s28;
	[tilespmem:s18+$0x2040 ss:$0x81] =	vst.msk $0xffff, v60  }
0x1a: {  	s15 =	sadd.s32 s4, s15;
	s16 =	sshrl.u32 s16, $0x3;
	s19 =	sshrl.u32 s19, $0x3;
	[tilespmem:s18+$0x2850 ss:$0x81] =	vst.msk $0xffff, v61  }
0x1b: {  	s14 =	sshll.u32 s31, $0x12;
	s15 =	sadd.s32 s16, s15;
	[tilespmem:s18+$0x3060 ss:$0x81] =	vst.msk $0xffff, v62;
	s19 =	sand.u32 $0x7FFC0, s19  }
0x1c: {  	s14 =	sor.u32 $0x400, s14;
	[tilespmem:s18+$0x0 ss:$0x81] =	vst.msk $0xffff, v63;
	s15 =	sadd.s32 s19, s15  }
0x1d: {  	[hbm4b:s15+s14] =	stream.strided.scatter [tilespmem:s17], [sflag:$0x2], $0x4000, s9, s14, $0x20;
	[tilespmem:$0x10100] =	vst v63  }
.LBB1_5:
0x1e: {  	s17 =	sadd.s32 $0x400, s10  }
0x1f: {  	s14 =	simm.s32 $0x1;
	p2 =	sgt.s32 s17, $0x1FFF  }
0x20: {  	s14 =	simm.s32 @!p2 $0x0  }
0x21: {  	s18 =	sadd.s32 s14, s11  }
0x22: {  	s20 =	smov.u32 s12;
	s14 =	sadd.s32 $0x200, s12;
	p3 =	sgt.s32 s18, $0x2  }
0x23: {  	s20 =	smov.u32 @p3 s14  }
0x24: {  	s17 =	smov.u32 @p2 s2;
	p2 =	sgt.s32 s20, $0x1FF  }
0x25: {  	p1 =	slt.u32 s13, $0x2;
	s20 =	smov.u32 @p2 s1;
	p2 =	sne.s32 s13, s8  }
.Ltmp1:
0x26: {  	s19 =	simm.s32 @!p1 $0x2;
	(pc) =	sbr.rel @!p2 .LBB1_6-.Ltmp1, $4  }
0x27: {  	s16 =	smov.u32 s10;
	s15 =	smov.u32 s11;
	_ =	swait.ge @!p1 [sflag:s19], $0x4000  }
0x28: {  	p0 =	por !p0, !p0;
	[sflag:s19] =	ssyncset.done @!p1 $0x0;
	s10 =	smov.u32 s17  }
0x29: {  	[sflag:s19] =	ssyncadd.s32 @!p1 $0xFFFFC000;
	s18 =	simm.s32 @p3 $0x0;
	s14 =	smov.u32 s12  }
0x2a: {  	s11 =	smov.u32 s18;
	s13 =	sadd.s32 $0x1, s13;
	s12 =	smov.u32 s20  }
.LBB1_1:
0x2b: {  	p1 =	sge.u32 s13, s6  }
0x2c: {  	s17 =	sshll.u32 @!p1 s11, $0x7  }
0x2d: {  	s18 =	sand.u32 @!p1 $0x78, s10;
	s19 =	sshll.u32 @!p1 s10, $0x2;
	s17 =	sand.u32 @!p1 $0x180, s17  }
0x2e: {  	s31 =	sadd.s32 $0xFFFFFFFF, s13;
	s19 =	sand.u32 @!p1 $0x1E00, s19;
	s17 =	sor.u32 @!p1 s17, s18  }
0x2f: {  	s18 =	sshll.u32 @!p1 s12, $0xC;
	s17 =	sor.u32 @!p1 s19, s17;
	s19 =	sshrl.u32 @!p1 s10, $0x1  }
0x30: {  	s20 =	sxor.u32 @!p1 $0xFFFFFFFF, s13;
	s18 =	sadd.s32 @!p1 s7, s18;
	s19 =	sand.u32 @!p1 $0xC00, s19  }
0x31: {  	s20 =	sshll.u32 @!p1 s20, $0xE;
	s18 =	sadd.s32 @!p1 s19, s18;
	s19 =	sand.u32 @!p1 $0x7, s10  }
0x32: {  	s20 =	sand.u32 @!p1 $0x4000, s20;
	s17 =	sshrl.u32 @!p1 s17, $0x3;
	s19 =	sshll.u32 @!p1 s19, $0x12  }
0x33: {  	s17 =	sadd.s32 @!p1 s17, s18;
	s18 =	sor.u32 @!p1 $0x80, s19;
	s19 =	simm.s32 @!p1 $0x8000  }
0x34: {  	[tilespmem:s20], [sflag:$0x1] =	stream.strided.gather @!p1 [hbm4b:s17+s18], $0x4000, s19, s18, $0x38;
	[tilespmem:$0x10100] =	vst v63  }
0x35: {  	p1 =	sge.u32 s31, s6  }
.Ltmp2:
0x36: {  	_ = 	snop;
	(pc) =	sbr.rel @p1 .LBB1_5-.Ltmp2, $1  }
0x37: {  	_ =	sdelay $0x3  }
0x38: {  	s17 =	simm.s32 $0x1  }
0x39: {  	_ =	swait.ge [sflag:s5], $0x4000;
	s17 =	simm.s32 @!p0 $0x0  }
0x3a: {  	[sflag:s5] =	ssyncset.done $0x0;
	s18 =	sshll.u32 s17, $0xE  }
0x3b: {  	[sflag:s5] =	ssyncadd.s32 $0xFFFFC000;
	s19 =	sor.u32 $0x40, s18  }
0x3c: {  	s17 =	smul.u32 $0x10200, s17;
	v0 =	vld [tilespmem:s19+$0x30]  }
0x3d: {  	v3 =	vld [tilespmem:s19+$0xFFFFFFD0]  }
0x3e: {  	s17 =	sshrl.u32 s17, $0x2;
	v4 =	vld [tilespmem:s19+$0xFFFFFFE0]  }
0x3f: {  	v5 =	vld [tilespmem:s19+$0xFFFFFFF0];
	s18 =	sor.u32 $0x8000, s17  }
0x40: {  	s31 =	sand.u32 $0x1, s13;
	v1 =	vld [tilespmem:s19+$0x0];
	s20 =	sadd.s32 $0x0, s18  }
0x41: {  	v2 =	vld [tilespmem:s19+$0x10];
	s17 =	smul.u32 $0x10200, s31;
	[tilespmem:s20+$0x3870 ss:$0x81] =	vst.msk $0xffff, v0  }
0x42: {  	[tilespmem:s20+$0x810 ss:$0x81] =	vst.msk $0xffff, v3;
	v3 =	vld [tilespmem:s19+$0x20]  }
0x43: {  	s17 =	sshrl.u32 s17, $0x2;
	v0 =	vld [tilespmem:s19+$0xFFFFFFC0];
	[tilespmem:s20+$0x1020 ss:$0x81] =	vst.msk $0xffff, v4;
	s19 =	sadd.s32 $0x80, s19  }
0x44: {  	s21 =	simm.s32 $0x4;
	s22 =	simm.s32 $0x8;
	s17 =	sor.u32 $0x8000, s17;
	[tilespmem:s20+$0x1830 ss:$0x81] =	vst.msk $0xffff, v5;
	v4 =	vld [tilespmem:s19+$0x30]  }
.LBB1_3:
0x45: {  	p1 =	sne.s32 s22, $0x1FC;
	v5 =	vld [tilespmem:s19+$0xFFFFFFD0];
	[tilespmem:s20+$0x2040 ss:$0x81] =	vst.msk $0xffff, v1  }
0x46: {  	v6 =	vld [tilespmem:s19+$0xFFFFFFE0];
	[tilespmem:s20+$0x2850 ss:$0x81] =	vst.msk $0xffff, v2  }
0x47: {  	s23 =	sshra.s32 s21, $0x2;
	s21 =	smov.u32 s22;
	v7 =	vld [tilespmem:s19+$0xFFFFFFF0];
	[tilespmem:s20+$0x3060 ss:$0x81] =	vst.msk $0xffff, v3  }
.Ltmp3:
0x48: {  	v1 =	vld [tilespmem:s19+$0x0];
	[tilespmem:s20+$0x0 ss:$0x81] =	vst.msk $0xffff, v0;
	s20 =	sadd.s32 s23, s18;
	(pc) =	sbr.rel @p1 .LBB1_3-.Ltmp3, $4  }
0x49: {  	v2 =	vld [tilespmem:s19+$0x10];
	[tilespmem:s20+$0x3870 ss:$0x81] =	vst.msk $0xffff, v4  }
0x4a: {  	[tilespmem:s20+$0x810 ss:$0x81] =	vst.msk $0xffff, v5;
	v3 =	vld [tilespmem:s19+$0x20]  }
0x4b: {  	v0 =	vld [tilespmem:s19+$0xFFFFFFC0];
	[tilespmem:s20+$0x1020 ss:$0x81] =	vst.msk $0xffff, v6;
	s19 =	sadd.s32 $0x80, s19  }
0x4c: {  	s22 =	sadd.s32 $0x4, s22;
	v4 =	vld [tilespmem:s19+$0x30];
	[tilespmem:s20+$0x1830 ss:$0x81] =	vst.msk $0xffff, v7  }
.Ltmp4:
0x4d: {  	_ = 	snop;
	(pc) =	sbr.rel .LBB1_4-.Ltmp4, $1  }
0x4e: {  	_ =	sdelay $0x3  }
.LBB1_6:
0x4f: {  	_ =	sfence.sel $0x180000  }
0x50: {  	s1 =	simm.s32 $0x1;
	[bflag:$0x0] =	sbarrier.arrive $0xFFFF  }
0x51: {  	s31 =	simm.s32 $0x2;
	[sflag:s1] =	ssyncpa.u1 $0x1  }
0x52: {  	[sflag:s31] =	ssyncpa.u1 $0x1  }
0x53: {  	p0 =	sne.s32 s0, $0x0;
	_ =	strace $0x90000047  }
0x54: {  	s0 =	sadd.s32 @!p0 $0x100000, s3;
	[bflag:$0x2] =	sbarrier.arrive $0xFFFF  }
0x55: {  	[sflag:s0] =	ssyncadd.tile.s32 @!p0 $0x1;
	_ =	shalt  }
.Lfunc_end1:
_tile_overlayer_lowered:
.L_overlay_start_2:
0x56: {  	(tag) =	ssettag $0x2  }
0x57: {  	s0 =	rddreg [dreg:$0x0];
	s2 =	stileid.u32  }
0x58: {  	s1 =	rddreg [dreg:$0x1];
	p0 =	sne.s32 s2, $0x0  }
0x59: {  	s3 =	rddreg [dreg:$0x2];
	[bflag:$0x3] =	sbarrier.arrive $0xFFFF;
	s2 =	simm.s32 @!p0 $0x1C01  }
0x5a: {  	[timem:s3], [sflag:s2] =	dma.local @!p0 [hbm:s0], s1  }
0x5b: {  	s0 =	simm.s32 @!p0 $0x1  }
0x5c: {  	_ =	swait.ge @!p0 [sflag:s0], s1  }
0x5d: {  	s1 =	ssub.s32 @!p0 $0x0, s1;
	[sflag:s0] =	ssyncset.done @!p0 $0x0  }
0x5e: {  	[sflag:s0] =	ssyncadd.s32 @!p0 s1  }
0x5f: {  	[bflag:$0x3] =	sbarrier.arrive $0xFFFF  }
0x60: {  	_ =	shalt  }

</sc_bundles>
